<compile_context>
chip_gen: v7x
topology: tpu7x:2x2x1
jax: 0.10.2.dev20260603
libtpu: 0.0.44.dev20260713+nightly
codegen_flags: <defaults>
</compile_context>

<pallas_src>
import functools

import jax
import jax.numpy as jnp
from jax import lax
from jax.experimental import pallas as pl
from jax.experimental.pallas import tpu as pltpu
from jax.experimental.pallas import tpu_sc as plsc

_LANES = 16
_NC = 2
_NS = 16
_NW = _NC * _NS
_BATCH = 16384
_DIM = 64
_BPW = _BATCH // _NW
_GROUPS = _BPW // _LANES

_mesh = plsc.VectorSubcoreMesh(core_axis_name="c", subcore_axis_name="s")


@functools.partial(
    pl.kernel,
    mesh=_mesh,
    out_type=jax.ShapeDtypeStruct((_BATCH,), jnp.float32),
    scratch_types=[
        pltpu.VMEM((_BPW,), jnp.int32),
        pltpu.VMEM((_BPW,), jnp.int32),
        pltpu.VMEM((_BPW, _DIM), jnp.float32),
        pltpu.VMEM((_BPW, _DIM), jnp.float32),
        pltpu.VMEM((_BPW,), jnp.float32),
        pltpu.SemaphoreType.DMA,
        pltpu.SemaphoreType.DMA,
    ],
    compiler_params=pltpu.CompilerParams(
        needs_layout_passes=False, use_tc_tiling_on_sc=False),
)
def _sc_dot(uidx_hbm, pidx_hbm, user_hbm, place_hbm, out_hbm,
            uidx_v, pidx_v, urows_v, prows_v, out_v, usem, psem):
    wid = lax.axis_index("s") * _NC + lax.axis_index("c")
    base = wid * _BPW

    pltpu.sync_copy(uidx_hbm.at[pl.ds(base, _BPW)], uidx_v)
    pltpu.sync_copy(pidx_hbm.at[pl.ds(base, _BPW)], pidx_v)
    cu = pltpu.async_copy(user_hbm.at[uidx_v], urows_v, usem)
    cp = pltpu.async_copy(place_hbm.at[pidx_v], prows_v, psem)
    cu.wait()
    cp.wait()

    def group_body(g, carry):
        rows = g * _LANES + lax.iota(jnp.int32, _LANES)

        def d_body(dd, acc):
            for k in range(4):
                col = jnp.full((_LANES,), dd * 4 + k, jnp.int32)
                u = plsc.load_gather(urows_v, [rows, col])
                p = plsc.load_gather(prows_v, [rows, col])
                acc = acc + u * p
            return acc

        acc = lax.fori_loop(0, _DIM // 4, d_body,
                            jnp.zeros((_LANES,), jnp.float32))
        out_v[pl.ds(g * _LANES, _LANES)] = acc
        return carry

    lax.fori_loop(0, _GROUPS, group_body, 0)
    pltpu.sync_copy(out_v, out_hbm.at[pl.ds(base, _BPW)])


def kernel(inputs, user_table, place_table):
    uidx = inputs[:, 0]
    pidx = inputs[:, 1]
    return _sc_dot(uidx, pidx, user_table, place_table)

# --- scband reference (transcript-rebuilt; emitter-appended) ---
"""Pipeline reference for scband-matrix-factorization-54202487275634 (READ-ONLY COPY).

The authoritative reference and input builder live on the scoring server;
editing this copy changes nothing except your own understanding.
"""

import jax, jax.numpy as jnp
import numpy as np

N_USERS = 100000
N_PLACES = 100000
EMBED_DIM = 64
BATCH = 16384

def setup_inputs(seed: int = 0) -> dict:
    key = jax.random.key(seed)
    k_idx, k_u, k_p = jax.random.split(key, 3)
    inputs = jax.random.randint(k_idx, (BATCH, 2), 0, N_USERS, dtype=jnp.int64 if jax.config.jax_enable_x64 else jnp.int32).astype(jnp.int32)
    user_table = jax.random.normal(k_u, (N_USERS, EMBED_DIM), dtype=jnp.float32) * 0.05
    place_table = jax.random.normal(k_p, (N_PLACES, EMBED_DIM), dtype=jnp.float32) * 0.05
    return {"inputs": inputs, "user_table": user_table, "place_table": place_table}

def reference(inputs, user_table, place_table):
    user_vec = jnp.take(user_table, inputs[:, 0], axis=0)
    place_vec = jnp.take(place_table, inputs[:, 1], axis=0)
    return jnp.sum(user_vec * place_vec, axis=1)

if __name__ == "__main__":
    import jax
    _d = setup_inputs()
    print(jax.jit(kernel)(*tuple(_d.values())))

</pallas_src>

<mosaic_0001>
#map = affine_map<(d0, d1) -> (0)>
#map1 = affine_map<(d0, d1) -> (0, 0)>
module attributes {stable_mosaic.version = 14 : i64} {
  func.func @_sc_dot(%arg0: i32, %arg1: i32, %arg2: memref<16384xi32, #tpu.memory_space<hbm>>, %arg3: memref<16384xi32, #tpu.memory_space<hbm>>, %arg4: memref<100000x64xf32, #tpu.memory_space<hbm>>, %arg5: memref<100000x64xf32, #tpu.memory_space<hbm>>, %arg6: memref<16384xf32, #tpu.memory_space<hbm>>, %arg7: memref<512xi32, #tpu.memory_space<vmem>>, %arg8: memref<512xi32, #tpu.memory_space<vmem>>, %arg9: memref<512x64xf32, #tpu.memory_space<vmem>>, %arg10: memref<512x64xf32, #tpu.memory_space<vmem>>, %arg11: memref<512xf32, #tpu.memory_space<vmem>>, %arg12: memref<!tpu.dma_semaphore, #tpu.memory_space<semaphore_mem>>, %arg13: memref<!tpu.dma_semaphore, #tpu.memory_space<semaphore_mem>>) attributes {dimension_semantics = [#tpu.dimension_semantics<core_parallel>, #tpu.dimension_semantics<subcore_parallel>], iteration_bounds = array<i64: 2, 16>, scalar_prefetch = 0 : i64, scratch_operands = 7 : i64, tpu.core_type = #tpu.core_type<sc_vector_subcore>, window_params = [{transform_indices = #map}, {transform_indices = #map}, {transform_indices = #map1}, {transform_indices = #map1}, {transform_indices = #map}]} {
    %mul3A = arith.constant 2 : i32
    %mul3A_0 = arith.muli %arg1, %mul3A : i32
    %add3A = arith.addi %mul3A_0, %arg0 : i32
    %mul3A_1 = arith.constant 512 : i32
    %mul3A_2 = arith.muli %add3A, %mul3A_1 : i32
    "tpu.region"() ({
      %run_scoped3A = tpu.sem_alloc : memref<!tpu.dma_semaphore, #tpu.memory_space<semaphore_mem>>
      %dma_start3A_18 = tpu.memref_slice %arg2[%mul3A_2] : memref<16384xi32, #tpu.memory_space<hbm>> -> memref<512xi32, #tpu.memory_space<hbm>>
      %dma_start3A_19 = tpu.memref_slice %arg2[%mul3A_2] : memref<16384xi32, #tpu.memory_space<hbm>> -> memref<512xi32, #tpu.memory_space<hbm>>
      tpu.enqueue_dma source(%dma_start3A_19 : memref<512xi32, #tpu.memory_space<hbm>>) target(%arg7 : memref<512xi32, #tpu.memory_space<vmem>>) target_semaphore(%run_scoped3A : memref<!tpu.dma_semaphore, #tpu.memory_space<semaphore_mem>>)
      %dma_wait3A_20 = tpu.memref_slice %arg2[%mul3A_2] : memref<16384xi32, #tpu.memory_space<hbm>> -> memref<512xi32, #tpu.memory_space<hbm>>
      %dma_wait3A_21 = tpu.memref_slice %arg2[%mul3A_2] : memref<16384xi32, #tpu.memory_space<hbm>> -> memref<512xi32, #tpu.memory_space<hbm>>
      tpu.wait_dma2 semaphore(%run_scoped3A : memref<!tpu.dma_semaphore, #tpu.memory_space<semaphore_mem>>) src(%dma_wait3A_21 : memref<512xi32, #tpu.memory_space<hbm>>) dst(%arg7 : memref<512xi32, #tpu.memory_space<vmem>>)
      tpu.yield
    }) : () -> ()
    "tpu.region"() ({
      %run_scoped3A = tpu.sem_alloc : memref<!tpu.dma_semaphore, #tpu.memory_space<semaphore_mem>>
      %dma_start3A_18 = tpu.memref_slice %arg3[%mul3A_2] : memref<16384xi32, #tpu.memory_space<hbm>> -> memref<512xi32, #tpu.memory_space<hbm>>
      %dma_start3A_19 = tpu.memref_slice %arg3[%mul3A_2] : memref<16384xi32, #tpu.memory_space<hbm>> -> memref<512xi32, #tpu.memory_space<hbm>>
      tpu.enqueue_dma source(%dma_start3A_19 : memref<512xi32, #tpu.memory_space<hbm>>) target(%arg8 : memref<512xi32, #tpu.memory_space<vmem>>) target_semaphore(%run_scoped3A : memref<!tpu.dma_semaphore, #tpu.memory_space<semaphore_mem>>)
      %dma_wait3A_20 = tpu.memref_slice %arg3[%mul3A_2] : memref<16384xi32, #tpu.memory_space<hbm>> -> memref<512xi32, #tpu.memory_space<hbm>>
      %dma_wait3A_21 = tpu.memref_slice %arg3[%mul3A_2] : memref<16384xi32, #tpu.memory_space<hbm>> -> memref<512xi32, #tpu.memory_space<hbm>>
      tpu.wait_dma2 semaphore(%run_scoped3A : memref<!tpu.dma_semaphore, #tpu.memory_space<semaphore_mem>>) src(%dma_wait3A_21 : memref<512xi32, #tpu.memory_space<hbm>>) dst(%arg8 : memref<512xi32, #tpu.memory_space<vmem>>)
      tpu.yield
    }) : () -> ()
    %dma_start3A = arith.constant 0 : i32
    %dma_start3A_3 = arith.constant 0 : i32
    %dma_start3A_4 = tpu.memref_slice %arg4[%dma_start3A, %dma_start3A_3] : memref<100000x64xf32, #tpu.memory_space<hbm>> -> memref<100000x64xf32, #tpu.memory_space<hbm>>
    tpu.enqueue_indirect_dma source(%dma_start3A_4 : memref<100000x64xf32, #tpu.memory_space<hbm>>) target(%arg9 : memref<512x64xf32, #tpu.memory_space<vmem>>) offsets(%arg7 : memref<512xi32, #tpu.memory_space<vmem>>) semaphore(%arg12 : memref<!tpu.dma_semaphore, #tpu.memory_space<semaphore_mem>>)
    %dma_start3A_5 = arith.constant 0 : i32
    %dma_start3A_6 = arith.constant 0 : i32
    %dma_start3A_7 = tpu.memref_slice %arg5[%dma_start3A_5, %dma_start3A_6] : memref<100000x64xf32, #tpu.memory_space<hbm>> -> memref<100000x64xf32, #tpu.memory_space<hbm>>
    tpu.enqueue_indirect_dma source(%dma_start3A_7 : memref<100000x64xf32, #tpu.memory_space<hbm>>) target(%arg10 : memref<512x64xf32, #tpu.memory_space<vmem>>) offsets(%arg8 : memref<512xi32, #tpu.memory_space<vmem>>) semaphore(%arg13 : memref<!tpu.dma_semaphore, #tpu.memory_space<semaphore_mem>>)
    %dma_wait3A = arith.constant 0 : i32
    %dma_wait3A_8 = arith.constant 0 : i32
    %dma_wait3A_9 = tpu.memref_slice %arg4[%dma_wait3A, %dma_wait3A_8] : memref<100000x64xf32, #tpu.memory_space<hbm>> -> memref<100000x64xf32, #tpu.memory_space<hbm>>
    tpu.wait_indirect_dma semaphore(%arg12 : memref<!tpu.dma_semaphore, #tpu.memory_space<semaphore_mem>>) src(%dma_wait3A_9 : memref<100000x64xf32, #tpu.memory_space<hbm>>) dst(%arg9 : memref<512x64xf32, #tpu.memory_space<vmem>>)
    %dma_wait3A_10 = arith.constant 0 : i32
    %dma_wait3A_11 = arith.constant 0 : i32
    %dma_wait3A_12 = tpu.memref_slice %arg5[%dma_wait3A_10, %dma_wait3A_11] : memref<100000x64xf32, #tpu.memory_space<hbm>> -> memref<100000x64xf32, #tpu.memory_space<hbm>>
    tpu.wait_indirect_dma semaphore(%arg13 : memref<!tpu.dma_semaphore, #tpu.memory_space<semaphore_mem>>) src(%dma_wait3A_12 : memref<100000x64xf32, #tpu.memory_space<hbm>>) dst(%arg10 : memref<512x64xf32, #tpu.memory_space<vmem>>)
    %scan3A = arith.constant 0 : i32
    %scan3A_13 = arith.constant 0 : i32
    %scan3A_14 = arith.constant 32 : i32
    %scan3A_15 = arith.addi %scan3A_13, %scan3A_14 : i32
    %scan3A_16 = arith.constant 1 : i32
    scf.for %scan3A_18 = %scan3A_13 to %scan3A_15 step %scan3A_16  : i32 {
      %mul3A_19 = arith.constant 16 : i32
      %mul3A_20 = arith.muli %scan3A_18, %mul3A_19 : i32
      %iota3A = tpu.iota {dimensions = array<i32: 0>} : vector<16xi32>
      %add3A_21 = vector.broadcast %mul3A_20 : i32 to vector<16xi32>
      %add3A_22 = arith.addi %add3A_21, %iota3A : vector<16xi32>
      %broadcast_in_dim3A = arith.constant 0.000000e+00 : f32
      %broadcast_in_dim3A_23 = vector.broadcast %broadcast_in_dim3A : f32 to vector<16xf32>
      %scan3A_24 = arith.constant 0 : i32
      %scan3A_25 = arith.constant 16 : i32
      %scan3A_26 = arith.addi %scan3A_24, %scan3A_25 : i32
      %scan3A_27 = arith.constant 1 : i32
      %scan3A_28 = scf.for %scan3A_33 = %scan3A_24 to %scan3A_26 step %scan3A_27 iter_args(%scan3A_34 = %broadcast_in_dim3A_23) -> (vector<16xf32>)  : i32 {
        %mul3A_35 = arith.constant 4 : i32
        %mul3A_36 = arith.muli %scan3A_33, %mul3A_35 : i32
        %add3A_37 = arith.constant 0 : i32
        %add3A_38 = arith.addi %mul3A_36, %add3A_37 : i32
        %broadcast_in_dim3A_39 = vector.broadcast %add3A_38 : i32 to vector<16xi32>
        %gather3A = tpu.vector_load_idx %arg9[%add3A_22, %broadcast_in_dim3A_39] : memref<512x64xf32, #tpu.memory_space<vmem>>[vector<16xi32>, vector<16xi32>], vector<16xf32>,
        %gather3A_40 = tpu.vector_load_idx %arg10[%add3A_22, %broadcast_in_dim3A_39] : memref<512x64xf32, #tpu.memory_space<vmem>>[vector<16xi32>, vector<16xi32>], vector<16xf32>,
        %mul3A_41 = arith.mulf %gather3A, %gather3A_40 : vector<16xf32>
        %add3A_42 = arith.addf %scan3A_34, %mul3A_41 : vector<16xf32>
        %mul3A_43 = arith.constant 4 : i32
        %mul3A_44 = arith.muli %scan3A_33, %mul3A_43 : i32
        %add3A_45 = arith.constant 1 : i32
        %add3A_46 = arith.addi %mul3A_44, %add3A_45 : i32
        %broadcast_in_dim3A_47 = vector.broadcast %add3A_46 : i32 to vector<16xi32>
        %gather3A_48 = tpu.vector_load_idx %arg9[%add3A_22, %broadcast_in_dim3A_47] : memref<512x64xf32, #tpu.memory_space<vmem>>[vector<16xi32>, vector<16xi32>], vector<16xf32>,
        %gather3A_49 = tpu.vector_load_idx %arg10[%add3A_22, %broadcast_in_dim3A_47] : memref<512x64xf32, #tpu.memory_space<vmem>>[vector<16xi32>, vector<16xi32>], vector<16xf32>,
        %mul3A_50 = arith.mulf %gather3A_48, %gather3A_49 : vector<16xf32>
        %add3A_51 = arith.addf %add3A_42, %mul3A_50 : vector<16xf32>
        %mul3A_52 = arith.constant 4 : i32
        %mul3A_53 = arith.muli %scan3A_33, %mul3A_52 : i32
        %add3A_54 = arith.constant 2 : i32
        %add3A_55 = arith.addi %mul3A_53, %add3A_54 : i32
        %broadcast_in_dim3A_56 = vector.broadcast %add3A_55 : i32 to vector<16xi32>
        %gather3A_57 = tpu.vector_load_idx %arg9[%add3A_22, %broadcast_in_dim3A_56] : memref<512x64xf32, #tpu.memory_space<vmem>>[vector<16xi32>, vector<16xi32>], vector<16xf32>,
        %gather3A_58 = tpu.vector_load_idx %arg10[%add3A_22, %broadcast_in_dim3A_56] : memref<512x64xf32, #tpu.memory_space<vmem>>[vector<16xi32>, vector<16xi32>], vector<16xf32>,
        %mul3A_59 = arith.mulf %gather3A_57, %gather3A_58 : vector<16xf32>
        %add3A_60 = arith.addf %add3A_51, %mul3A_59 : vector<16xf32>
        %mul3A_61 = arith.constant 4 : i32
        %mul3A_62 = arith.muli %scan3A_33, %mul3A_61 : i32
        %add3A_63 = arith.constant 3 : i32
        %add3A_64 = arith.addi %mul3A_62, %add3A_63 : i32
        %broadcast_in_dim3A_65 = vector.broadcast %add3A_64 : i32 to vector<16xi32>
        %gather3A_66 = tpu.vector_load_idx %arg9[%add3A_22, %broadcast_in_dim3A_65] : memref<512x64xf32, #tpu.memory_space<vmem>>[vector<16xi32>, vector<16xi32>], vector<16xf32>,
        %gather3A_67 = tpu.vector_load_idx %arg10[%add3A_22, %broadcast_in_dim3A_65] : memref<512x64xf32, #tpu.memory_space<vmem>>[vector<16xi32>, vector<16xi32>], vector<16xf32>,
        %mul3A_68 = arith.mulf %gather3A_66, %gather3A_67 : vector<16xf32>
        %add3A_69 = arith.addf %add3A_60, %mul3A_68 : vector<16xf32>
        scf.yield %add3A_69 : vector<16xf32>
      }
      %scan3A_29 = arith.constant 16 : i32
      %mul3A_30 = arith.constant 16 : i32
      %mul3A_31 = arith.muli %scan3A_18, %mul3A_30 : i32
      %swap3A = arith.index_cast %mul3A_31 : i32 to index
      %swap3A_32 = tpu.vector_load %arg11[%swap3A] {strides = array<i32>} : memref<512xf32, #tpu.memory_space<vmem>>, vector<16xf32>,
      tpu.vector_store %arg11[%swap3A], %scan3A_28 {strides = array<i32>} : memref<512xf32, #tpu.memory_space<vmem>>, vector<16xf32>,
    }
    %scan3A_17 = arith.constant 32 : i32
    "tpu.region"() ({
      %run_scoped3A = tpu.sem_alloc : memref<!tpu.dma_semaphore, #tpu.memory_space<semaphore_mem>>
      %dma_start3A_18 = tpu.memref_slice %arg6[%mul3A_2] : memref<16384xf32, #tpu.memory_space<hbm>> -> memref<512xf32, #tpu.memory_space<hbm>>
      %dma_start3A_19 = tpu.memref_slice %arg6[%mul3A_2] : memref<16384xf32, #tpu.memory_space<hbm>> -> memref<512xf32, #tpu.memory_space<hbm>>
      tpu.enqueue_dma source(%arg11 : memref<512xf32, #tpu.memory_space<vmem>>) target(%dma_start3A_19 : memref<512xf32, #tpu.memory_space<hbm>>) target_semaphore(%run_scoped3A : memref<!tpu.dma_semaphore, #tpu.memory_space<semaphore_mem>>)
      %dma_wait3A_20 = tpu.memref_slice %arg6[%mul3A_2] : memref<16384xf32, #tpu.memory_space<hbm>> -> memref<512xf32, #tpu.memory_space<hbm>>
      %dma_wait3A_21 = tpu.memref_slice %arg6[%mul3A_2] : memref<16384xf32, #tpu.memory_space<hbm>> -> memref<512xf32, #tpu.memory_space<hbm>>
      tpu.wait_dma2 semaphore(%run_scoped3A : memref<!tpu.dma_semaphore, #tpu.memory_space<semaphore_mem>>) src(%arg11 : memref<512xf32, #tpu.memory_space<vmem>>) dst(%dma_wait3A_21 : memref<512xf32, #tpu.memory_space<hbm>>)
      tpu.yield
    }) : () -> ()
    return
  }
}

</mosaic_0001>

<sc_bundles>
// kernel: kernel.3.cloned.1.call-start
scs
__scs_entry_jumppad:
0x0: {  	(pc) =	sbr.rel $0x88, $3  }
0x1: {  	(tag) =	ssettag $0x0;
	lr =	simm.s32 $0x1  }
0x2: {  	[smem:$0x3F9E] =	sst lr;
	_ =	strace $0xD0000000  }
0x3: {  	_ = 	snop  }
0x4: {  	_ = 	snop  }
0x5: {  	_ = 	snop  }
0x6: {  	_ = 	snop  }
0x7: {  	_ = 	snop  }
__scs_overlays_trampoline_lowered:
0x8: {  	[smem:$0x3FAD] =	sst s0  }
0x9: {  	[smem:$0x3FAE] =	sst s1  }
0xa: {  	[smem:$0x3FAF] =	sst s2  }
0xb: {  	[smem:$0x3FB0] =	sst s3  }
0xc: {  	[smem:$0x3FB1] =	sst s4  }
0xd: {  	[smem:$0x3FB2] =	sst s5  }
0xe: {  	[smem:$0x3FB3] =	sst s6  }
0xf: {  	[smem:$0x3FB4] =	sst s7  }
0x10: {  	[smem:$0x3FB5] =	sst s8  }
0x11: {  	[smem:$0x3FB6] =	sst s9;
	s0 =	simm.s32 @!p0 $0x0  }
0x12: {  	s1 =	sld [smem:$0x3F9C];
	s0 =	simm.s32 @p0 $0x1  }
0x13: {  	[smem:$0x3FB7] =	sst s0;
	s0 =	simm.s32 @!p1 $0x0  }
0x14: {  	s2 =	sld [smem:$0x3F9B];
	s0 =	simm.s32 @p1 $0x1  }
0x15: {  	[smem:$0x3FB8] =	sst s0;
	s0 =	simm.s32 @!p2 $0x0  }
0x16: {  	s3 =	sld [smem:$0x3FDB];
	s0 =	simm.s32 @p2 $0x1  }
0x17: {  	s4 =	simm.s32 $0x1BF5;
	[smem:$0x3FBA] =	sst s0  }
0x18: {  	s0 =	sld [smem:$0x3F9D];
	_ =	swait.ge [sflag:s4], $0x0  }
0x19: {  	s7 =	sld [smem:$0x3F9E]  }
0x1a: {  	s8 =	sadd.s32 $0xFFFFE003, lr  }
0x1b: {  	s9 =	sadd.s32 $0xFFFFFEF7, lr;
	s5 =	simm.s32 $0xFFFFFFFF;
	p2 =	slt.u32 s8, $0xFFFFF086  }
0x1c: {  	p1 =	slt.u32 s9, $0xF7A;
	s5 =	simm.s32 @!p2 $0x0  }
0x1d: {  	s5 =	simm.s32 @p1 $0x1;
	p0 =	seq.s32 s7, s2  }
0x1e: {  	s7 =	smul.u32 @!p0 $0xF7A, s2;
	p2 =	seq.s32 @!p0 s5, $0x0  }
0x1f: {  	s9 =	smul.u32 $0xF7A, s1;
	s8 =	simm.s32 @!p0 $0x1BF5;
	p2 =	por !p2, p0  }
0x20: {  	[sflag:s8] =	ssyncset.s32 @!p0 $0xFFFFF086;
	s6 =	sadd.s32 @!p0 s3, s7;
	s7 =	simm.s32 @!p0 $0x108  }
0x21: {  	s3 =	sadd.s32 s3, s9;
	s6 =	sadd.s32 @!p0 $0x88, s6;
	s7 =	simm.s32 @p2 $0x1082  }
0x22: {  	[simem:s7], [sflag:s8] =	dma.local @!p0 [hbm:s6], $0xF7A  }
0x23: {  	s9 =	sor.u32 $0xD0000000, s2;
	s6 =	simm.s32 $0x108;
	_ =	swait.ge @!p0 [sflag:s8], $0x0  }
0x24: {  	s3 =	sadd.s32 $0x88, s3;
	s6 =	simm.s32 @!p1 $0x1082;
	[sflag:s4] =	ssyncset.s32 $0xFFFFF086  }
0x25: {  	[simem:s6], [sflag:s4] =	dma.local [hbm:s3], $0xF7A  }
0x26: {  	[smem:$0x3F9E] =	sst s1;
	(tag) =	ssettag s2;
	_ =	strace s9  }
0x27: {  	s1 =	sld [smem:$0x3FAE]  }
0x28: {  	s2 =	sld [smem:$0x3FAF]  }
0x29: {  	s4 =	sld [smem:$0x3FB1]  }
0x2a: {  	p0 =	seq.s32 s5, $0x0;
	s5 =	sld [smem:$0x3FB2]  }
0x2b: {  	s6 =	sld [smem:$0x3FB3]  }
0x2c: {  	s7 =	sld [smem:$0x3FB4]  }
0x2d: {  	s3 =	simm.s32 $0x108;
	s8 =	sld [smem:$0x3FB5]  }
0x2e: {  	s3 =	simm.s32 @!p0 $0x1082;
	s9 =	sld [smem:$0x3FB6]  }
0x2f: {  	lr =	sadd.s32 s0, s3;
	s0 =	sld [smem:$0x3FAD]  }
0x30: {  	s3 =	sld [smem:$0x3FB0]  }
0x31: {  	[smem:$0x3FB9] =	sst s10  }
0x32: {  	s10 =	sld [smem:$0x3FB7];
	_ =	sdelay $0x3  }
0x33: {  	p0 =	seq.s32 s10, $0x1;
	s10 =	sld [smem:$0x3FB9];
	_ =	sdelay $0x3  }
0x34: {  	[smem:$0x3FB9] =	sst s10  }
0x35: {  	s10 =	sld [smem:$0x3FB8];
	_ =	sdelay $0x3  }
0x36: {  	p1 =	seq.s32 s10, $0x1;
	s10 =	sld [smem:$0x3FB9];
	_ =	sdelay $0x3  }
0x37: {  	[smem:$0x3FB9] =	sst s10  }
0x38: {  	s10 =	sld [smem:$0x3FBA]  }
0x39: {  	_ = 	snop;
	(pc) =	sbr.ind lr, $3  }
0x3a: {  	_ = 	snop  }
0x3b: {  	_ = 	snop  }
0x3c: {  	p2 =	seq.s32 s10, $0x1;
	s10 =	sld [smem:$0x3FB9]  }
0x3d: {  	_ =	shalt  }
0x3e: {  	_ =	shalt  }
0x3f: {  	_ =	shalt  }
0x40: {  	_ =	shalt  }
0x41: {  	_ =	shalt  }
0x42: {  	_ =	shalt  }
0x43: {  	_ =	shalt  }
0x44: {  	_ =	shalt  }
0x45: {  	_ =	shalt  }
0x46: {  	_ =	shalt  }
0x47: {  	_ =	shalt  }
0x48: {  	_ =	shalt  }
0x49: {  	_ =	shalt  }
0x4a: {  	_ =	shalt  }
0x4b: {  	_ =	shalt  }
0x4c: {  	_ =	shalt  }
0x4d: {  	_ =	shalt  }
0x4e: {  	_ =	shalt  }
0x4f: {  	_ =	shalt  }
0x50: {  	_ =	shalt  }
0x51: {  	_ =	shalt  }
0x52: {  	_ =	shalt  }
0x53: {  	_ =	shalt  }
0x54: {  	_ =	shalt  }
0x55: {  	_ =	shalt  }
0x56: {  	_ =	shalt  }
0x57: {  	_ =	shalt  }
0x58: {  	_ =	shalt  }
0x59: {  	_ =	shalt  }
0x5a: {  	_ =	shalt  }
0x5b: {  	_ =	shalt  }
0x5c: {  	_ =	shalt  }
0x5d: {  	_ =	shalt  }
0x5e: {  	_ =	shalt  }
0x5f: {  	_ =	shalt  }
0x60: {  	_ =	shalt  }
0x61: {  	_ =	shalt  }
0x62: {  	_ =	shalt  }
0x63: {  	_ =	shalt  }
0x64: {  	_ =	shalt  }
0x65: {  	_ =	shalt  }
0x66: {  	_ =	shalt  }
0x67: {  	_ =	shalt  }
0x68: {  	_ =	shalt  }
0x69: {  	_ =	shalt  }
0x6a: {  	_ =	shalt  }
0x6b: {  	_ =	shalt  }
0x6c: {  	_ =	shalt  }
0x6d: {  	_ =	shalt  }
0x6e: {  	_ =	shalt  }
0x6f: {  	_ =	shalt  }
0x70: {  	_ =	shalt  }
0x71: {  	_ =	shalt  }
0x72: {  	_ =	shalt  }
0x73: {  	_ =	shalt  }
0x74: {  	_ =	shalt  }
0x75: {  	_ =	shalt  }
0x76: {  	_ =	shalt  }
0x77: {  	_ =	shalt  }
0x78: {  	_ =	shalt  }
0x79: {  	_ =	shalt  }
0x7a: {  	_ =	shalt  }
0x7b: {  	_ =	shalt  }
0x7c: {  	_ =	shalt  }
0x7d: {  	_ =	shalt  }
0x7e: {  	_ =	shalt  }
0x7f: {  	_ =	shalt  }
0x80: {  	_ =	shalt  }
0x81: {  	_ =	shalt  }
0x82: {  	_ =	shalt  }
0x83: {  	_ =	shalt  }
0x84: {  	_ =	shalt  }
0x85: {  	_ =	shalt  }
0x86: {  	_ =	shalt  }
0x87: {  	_ =	shalt  }
.Lfunc_end0:
.L_simem_size_0:
called_computation_lowered:
.L_overlay_start_0:
0x88: {  	s2 =	sld [smem:$0x3FD9]  }
0x89: {  	s3 =	sld [smem:$0x3FFE];
	_ =	sdelay $0x1  }
0x8a: {  	s1 =	srdreg.scid  }
0x8b: {  	s0 =	sand.u32 $0x1, s1  }
0x8c: {  	s17 =	sshll.u32 s0, $0xA;
	s2 =	sadd.s32 s3, s2  }
0x8d: {  	s2 =	sadd.s32 s2, s17  }
0x8e: {  	[smem:$0x3FC5] =	sst s2  }
0x8f: {  	_ = 	snop  }
0x90: {  	s2 =	sld [smem:$0x3FD0];
	(tm) =	ssettm $0x1  }
0x91: {  	s18 =	sld [smem:$0x3FFB];
	_ =	sdelay $0x3  }
0x92: {  	_ =	strace s18  }
0x93: {  	s3 =	sld [smem:$0x3FFC];
	_ =	sdelay $0x3  }
0x94: {  	_ =	strace s3  }
0x95: {  	s3 =	sld [smem:$0x3FFD];
	_ =	sdelay $0x3  }
0x96: {  	_ =	strace s3  }
0x97: {  	_ =	strace $0x8FFFFFFF  }
0x98: {  	s19 =	sld [smem:$0x3FDB];
	_ =	sdelay $0x1  }
0x99: {  	s4 =	simm.s32 $_scs_section_size  }
0x9a: {  	s5 =	simm.s32 $_size__tile_overlayer_lowered;
	s6 =	simm.s32 $_tile_overlayer_lowered  }
0x9b: {  	s22 =	simm.s32 $0x1BFF;
	s21 =	sshll.u32 s6, $0x1;
	s3 =	sadd.s32 s4, s19  }
0x9c: {  	s7 =	simm.s32 $0x0;
	s20 =	sshll.u32 s5, $0x1;
	s5 =	sadd.s32 s21, s3  }
0x9d: {  	[timem:s7], [sflag:s22] =	dma.local [hbm:s5], s20  }
0x9e: {  	_ =	swait.ge [sflag:s22], s20  }
0x9f: {  	s4 =	ssub.s32 $0x0, s20;
	[sflag:s22] =	ssyncset.done $0x0  }
0xa0: {  	[sflag:s22] =	ssyncadd.s32 s4;
	_ =	sdelay $0x1  }
0xa1: {  	s23 =	simm.s32 $0x1B8B  }
0xa2: {  	_ =	swait.ge [sflag:s23], $0x1  }
0xa3: {  	[sflag:s23] =	ssyncset.done $0x0  }
0xa4: {  	s25 =	simm.s32 $0x1B8E;
	s24 =	sld [smem:$0x3FFE];
	[sflag:s23] =	ssyncadd.s32 $0xFFFFFFFF  }
0xa5: {  	s26 =	simm.s32 $execute0_lowered;
	[smem:$0x3FD2] =	sst s25  }
0xa6: {  	s5 =	sshll.u32 s26, $0x1;
	_ =	strace $0x80000046;
	[dreg:$0x1] =	wrdreg $0xFFFFFFFF  }
0xa7: {  	s28 =	simm.s32 $_size_execute0_lowered;
	s3 =	sadd.s32 s3, s5;
	[dreg:$0x0] =	wrdreg $0x0  }
0xa8: {  	s5 =	sshll.u32 s28, $0x1;
	[dreg:$0x2] =	wrdreg s3  }
0xa9: {  	[dreg:$0x3] =	wrdreg s5  }
0xaa: {  	[dreg:$0x4] =	wrdreg $0xC0  }
0xab: {  	_ =	task [dreg:s7], $0x5FFFF  }
0xac: {  	[dreg:$0x1] =	wrdreg $0xFFFFFFFF  }
0xad: {  	[dreg:$0x0] =	wrdreg $0x60  }
0xae: {  	[dreg:$0x2] =	wrdreg s24  }
0xaf: {  	[dreg:$0x3] =	wrdreg s2  }
0xb0: {  	[dreg:$0x4] =	wrdreg $0x9  }
0xb1: {  	_ =	task.clear_ibuf [dreg:s7], $0x5FFFF;
	_ =	strace $0x90000046  }
0xb2: {  	s29 =	simm.s32 $0x9;
	_ =	strace $0x80000048  }
0xb3: {  	_ =	swait.ge [sflag:s29], $0x1  }
0xb4: {  	[sflag:s29] =	ssyncadd.s32 $0xFFFFFFFF  }
0xb5: {  	_ =	strace $0x90000048  }
0xb6: {  	_ =	sfence  }
0xb7: {  	s30 =	sld [smem:$0x0];
	_ =	sdelay $0x2  }
0xb8: {  	s31 =	sshll.u32 s1, $0xD;
	s1 =	sshrl.u32 s1, $0x2  }
0xb9: {  	s3 =	sand.u32 $0x4000, s31;
	s1 =	sadd.s32 s1, s30  }
0xba: {  	s0 =	sor.u32 s3, s0;
	s1 =	sshll.u32 s1, $0x11  }
0xbb: {  	s0 =	sor.u32 s1, s0  }
0xbc: {  	s0 =	sadd.s32 $0x8F2B, s0  }
0xbd: {  	[sflag:s0] =	ssyncadd.remote.s32 $0x1  }
0xbe: {  	_ =	sfence.sel $0xFFFF  }
0xbf: {  	[dreg:$0x0] =	wrdreg $0xFFFFFFFF;
	(pc) =	sbr.abs _section_cstart, $3  }
0xc0: {  	[dreg:$0x1] =	wrdreg $0xFFFFFFFF  }
0xc1: {  	_ =	task.clear_ibuf [dreg:s7], $0x2FFFF;
	_ =	strace $0x9FFFFFFF  }
0xc2: {  	(tm) =	ssettm $0x7FFFFFFF  }
0xc3: {  	_ =	shalt  }
tec
execute0_lowered:
.L_overlay_start_1:
0x0: {  	(tag) =	ssettag $0x1  }
0x1: {  	s4 =	rddreg [dreg:$0x0]  }
0x2: {  	s7 =	rddreg [dreg:$0x1];
	s2 =	srdreg.scid  }
0x3: {  	s0 =	rddreg [dreg:$0x2];
	s1 =	stileid.u32;
	s10 =	simm.s32 $0x200  }
0x4: {  	s11 =	simm.s32 $0x400;
	s12 =	simm.s32 $0x8400;
	s13 =	simm.s32 $0x1  }
0x5: {  	s14 =	simm.s32 $0x2;
	s15 =	simm.s32 $0x10400;
	s16 =	simm.s32 $0x0  }
0x6: {  	s3 =	sand.u32 $0x1, s2;
	s2 =	simm.s32 $0x0;
	s5 =	sshll.u32 s1, $0x7  }
0x7: {  	s6 =	sshll.u32 s3, $0x6;
	[smem:$0x7FF] =	sst s2;
	s31 =	ssub.s32 $0x2, s3  }
0x8: {  	s3 =	sadd.s32 $0x189C00, s4;
	s8 =	sor.u32 s6, s5;
	_ =	strace $0x80000047  }
0x9: {  	s9 =	sshrl.u32 s31, $0x1;
	s6 =	sadd.s32 s8, s4;
	s4 =	sadd.s32 $0x24D200, s4  }
0xa: {  	v0 =	vlaneseq.u32;
	s9 =	ssub.s32 s31, s9;
	s7 =	sadd.s32 s7, s8;
	s5 =	sadd.s32 $0x2A00, s6  }
0xb: {  	v0 =	vmul.u32 $0x40, v0;
	s6 =	sadd.s32 $0x2200, s6;
	s8 =	smax.u32 s9, $0x1;
	s9 =	simm.s32 $0x3  }
.LBB2_1:
0xc: {  	[tilespmem:s2], [sflag:$0x3] =	stream.linear.gather [hbm4b:s5+s2], $0x200, $0x38;
	[tilespmem:$0x10600] =	vst v63  }
0xd: {  	_ =	swait.ge [sflag:s9], $0x200  }
0xe: {  	[sflag:s9] =	ssyncset.done $0x0  }
0xf: {  	[sflag:s9] =	ssyncadd.s32 $0xFFFFFE00  }
0x10: {  	[tilespmem:s10], [sflag:$0x3] =	stream.linear.gather [hbm4b:s6+s2], $0x200, $0x38;
	[tilespmem:$0x10600] =	vst v63  }
0x11: {  	_ =	swait.ge [sflag:s9], $0x200  }
0x12: {  	[sflag:s9] =	ssyncset.done $0x0  }
0x13: {  	[sflag:s9] =	ssyncadd.s32 $0xFFFFFE00  }
0x14: {  	[tilespmem:s11], [sflag:$0x1] =	stream.indirect.gather [hbm4b:s3+s10], $0x40, s2, s10, $0xb8;
	[tilespmem:$0x10600] =	vst v63  }
0x15: {  	_ = 	snop  }
0x16: {  	[tilespmem:s12], [sflag:$0x2] =	stream.indirect.gather [hbm4b:s4+s10], $0x40, s10, s10, $0xb8;
	[tilespmem:$0x10600] =	vst v63  }
0x17: {  	_ =	swait.ge [sflag:s13], $0x8000  }
0x18: {  	[sflag:s13] =	ssyncset.done $0x0  }
0x19: {  	[sflag:s13] =	ssyncadd.s32 $0xFFFF8000  }
0x1a: {  	_ =	swait.ge [sflag:s14], $0x8000  }
0x1b: {  	[sflag:s14] =	ssyncset.done $0x0  }
0x1c: {  	s17 =	simm.s32 $0x0;
	[sflag:s14] =	ssyncadd.s32 $0xFFFF8000  }
.LBB2_2:
0x1d: {  	s19 =	simm.s32 $0x0  }
0x1e: {  	s18 =	sshll.u32 s17, $0x4;
	v1 =	vmov s19  }
0x1f: {  	s23 =	simm.s32 $0x1;
	v2 =	vmov s18;
	v1 =	vand.u32 $0x3C, v1  }
0x20: {  	v3 =	vmov s23;
	v2 =	vshll.u32 v2, $0x6;
	v4 =	vbroadcast v1, $0x0  }
0x21: {  	s24 =	simm.s32 $0x2;
	v1 =	vor.u32 v0, v2;
	v2 =	vand.u32 $0x3D, v3  }
0x22: {  	v3 =	vmov s24;
	v2 =	vbroadcast v2, $0x0;
	v4 =	vor.u32 v1, v4  }
0x23: {  	s25 =	simm.s32 $0x3;
	v3 =	vand.u32 $0x3E, v3  }
0x24: {  	v5 =	vmov s25;
	v3 =	vbroadcast v3, $0x0;
	v6 =	vor.u32 v1, v2  }
0x25: {  	s26 =	simm.s32 $0x4;
	v2 =	vand.u32 $0x3F, v5  }
0x26: {  	v5 =	vmov s26;
	v2 =	vbroadcast v2, $0x0;
	v7 =	vor.u32 v1, v3  }
0x27: {  	s28 =	simm.s32 $0x5;
	v3 =	vand.u32 $0x3C, v5;
	v8 =	vld.idx.msk [tilespmem:v4+s11+$0x0], $0xffff  }
0x28: {  	v3 =	vbroadcast v3, $0x0;
	v13 =	vor.u32 v1, v2;
	v11 =	vld.idx.msk [tilespmem:v4+s12+$0x0], $0xffff;
	v4 =	vmov s28  }
0x29: {  	s29 =	simm.s32 $0x6;
	v2 =	vld.idx.msk [tilespmem:v6+s11+$0x0], $0xffff;
	v4 =	vand.u32 $0x3D, v4  }
0x2a: {  	s20 =	simm.s32 $0x7;
	v9 =	vmov s29;
	s19 =	simm.s32 $0x8;
	v5 =	vor.u32 v1, v3;
	v6 =	vld.idx.msk [tilespmem:v6+s12+$0x0], $0xffff;
	v4 =	vbroadcast v4, $0x0  }
0x2b: {  	v10 =	vmov s20;
	v9 =	vand.u32 $0x3E, v9;
	v14 =	vmov s19;
	v3 =	vld.idx.msk [tilespmem:v7+s11+$0x0], $0xffff  }
0x2c: {  	s30 =	simm.s32 $0x9;
	v16 =	vand.u32 $0x3F, v10;
	v15 =	vbroadcast v9, $0x0;
	v10 =	vld.idx.msk [tilespmem:v7+s12+$0x0], $0xffff;
	v9 =	vor.u32 v1, v4  }
0x2d: {  	v12 =	vimm.f32 $0.0e+00;
	v19 =	vmov s30;
	v18 =	vand.u32 $0x3C, v14;
	v4 =	vld.idx.msk [tilespmem:v13+s11+$0x0], $0xffff  }
0x2e: {  	s31 =	simm.s32 $0xA;
	v14 =	vbroadcast v16, $0x0;
	v7 =	vor.u32 v1, v15;
	v17 =	vmul.f32 v11, v8;
	v11 =	vld.idx.msk [tilespmem:v13+s12+$0x0], $0xffff  }
0x2f: {  	s20 =	simm.s32 $0xC;
	v16 =	vand.u32 $0x3D, v19;
	v15 =	vmov s31;
	v13 =	vbroadcast v18, $0x0;
	v8 =	vld.idx.msk [tilespmem:v5+s11+$0x0], $0xffff  }
.LBB2_3:
0x30: {  	p0 =	sne.s32 s20, $0x3C;
	s21 =	sadd.s32 $0x3, s19;
	v18 =	vld.idx.msk [tilespmem:v5+s12+$0x0], $0xffff;
	v19 =	vor.u32 v1, v14;
	v12 =	vadd.f32 v17, v12;
	v14 =	vmul.f32 v6, v2;
	s19 =	smov.u32 s20  }
0x31: {  	v16 =	vbroadcast v16, $0x0;
	v15 =	vand.u32 $0x3E, v15;
	v17 =	vmov s21;
	v2 =	vld.idx.msk [tilespmem:v9+s11+$0x0], $0xffff  }
0x32: {  	v5 =	vor.u32 v1, v13;
	v13 =	vmul.f32 v10, v3;
	v6 =	vld.idx.msk [tilespmem:v9+s12+$0x0], $0xffff;
	v12 =	vadd.f32 v14, v12  }
.Ltmp0:
0x33: {  	v15 =	vbroadcast v15, $0x0;
	v14 =	vmov s20;
	v17 =	vand.u32 $0x3F, v17;
	v3 =	vld.idx.msk [tilespmem:v7+s11+$0x0], $0xffff;
	(pc) =	sbr.rel @p0 .LBB2_3-.Ltmp0, $4  }
0x34: {  	s21 =	sadd.s32 $0x1, s20;
	v9 =	vor.u32 v1, v16;
	v10 =	vld.idx.msk [tilespmem:v7+s12+$0x0], $0xffff;
	v12 =	vadd.f32 v13, v12;
	v13 =	vmul.f32 v11, v4  }
0x35: {  	v20 =	vmov s21;
	v16 =	vand.u32 $0x3C, v14;
	v14 =	vbroadcast v17, $0x0;
	v4 =	vld.idx.msk [tilespmem:v19+s11+$0x0], $0xffff  }
0x36: {  	s21 =	sadd.s32 $0x2, s20;
	v7 =	vor.u32 v1, v15;
	v17 =	vmul.f32 v18, v8;
	v11 =	vld.idx.msk [tilespmem:v19+s12+$0x0], $0xffff;
	v12 =	vadd.f32 v13, v12  }
0x37: {  	s20 =	sadd.s32 $0x4, s20;
	v15 =	vmov s21;
	v13 =	vbroadcast v16, $0x0;
	v16 =	vand.u32 $0x3D, v20;
	v8 =	vld.idx.msk [tilespmem:v5+s11+$0x0], $0xffff  }
0x38: {  	_ =	sdelay $0x2  }
0x39: {  	v12 =	vadd.f32 v17, v12;
	v2 =	vmul.f32 v6, v2  }
0x3a: {  	v5 =	vld.idx.msk [tilespmem:v5+s12+$0x0], $0xffff;
	v44 =	vor.u32 v1, v14  }
0x3b: {  	v45 =	vld.idx.msk [tilespmem:v9+s11+$0x0], $0xffff;
	v3 =	vmul.f32 v10, v3;
	v2 =	vadd.f32 v2, v12  }
0x3c: {  	v46 =	vbroadcast v16, $0x0;
	v48 =	vld.idx.msk [tilespmem:v9+s12+$0x0], $0xffff;
	v47 =	vor.u32 v1, v13  }
0x3d: {  	s19 =	sadd.s32 $0x3, s19;
	v49 =	vand.u32 $0x3E, v15;
	v50 =	vld.idx.msk [tilespmem:v7+s11+$0x0], $0xffff;
	v2 =	vadd.f32 v3, v2;
	v3 =	vmul.f32 v11, v4  }
0x3e: {  	v53 =	vld.idx.msk [tilespmem:v7+s12+$0x0], $0xffff;
	v51 =	vmov s19;
	v52 =	vbroadcast v49, $0x0;
	v10 =	vor.u32 v1, v46  }
0x3f: {  	v4 =	vand.u32 $0x3F, v51;
	v54 =	vld.idx.msk [tilespmem:v44+s11+$0x0], $0xffff;
	v5 =	vmul.f32 v5, v8;
	v2 =	vadd.f32 v3, v2  }
0x40: {  	v55 =	vor.u32 v1, v52;
	v6 =	vld.idx.msk [tilespmem:v44+s12+$0x0], $0xffff;
	v3 =	vbroadcast v4, $0x0  }
0x41: {  	v57 =	vmul.f32 v48, v45;
	v56 =	vld.idx.msk [tilespmem:v47+s11+$0x0], $0xffff;
	v2 =	vadd.f32 v5, v2  }
0x42: {  	v58 =	vld.idx.msk [tilespmem:v47+s12+$0x0], $0xffff;
	v1 =	vor.u32 v1, v3  }
0x43: {  	v59 =	vmul.f32 v53, v50;
	v60 =	vld.idx.msk [tilespmem:v10+s12+$0x0], $0xffff;
	v2 =	vadd.f32 v57, v2  }
0x44: {  	v3 =	vld.idx.msk [tilespmem:v10+s11+$0x0], $0xffff  }
0x45: {  	v61 =	vld.idx.msk [tilespmem:v55+s11+$0x0], $0xffff;
	v62 =	vmul.f32 v6, v54;
	v2 =	vadd.f32 v59, v2  }
0x46: {  	v4 =	vld.idx.msk [tilespmem:v55+s12+$0x0], $0xffff  }
0x47: {  	v8 =	vmul.f32 v58, v56;
	v63 =	vld.idx.msk [tilespmem:v1+s11+$0x0], $0xffff;
	v2 =	vadd.f32 v62, v2  }
0x48: {  	v1 =	vld.idx.msk [tilespmem:v1+s12+$0x0], $0xffff  }
0x49: {  	v3 =	vmul.f32 v60, v3;
	v2 =	vadd.f32 v8, v2;
	_ =	sdelay $0x1  }
0x4a: {  	s17 =	sadd.s32 $0x1, s17;
	v2 =	vadd.f32 v3, v2;
	v3 =	vmul.f32 v4, v61  }
0x4b: {  	p0 =	sne.s32 s17, $0x20  }
.Ltmp1:
0x4c: {  	v1 =	vmul.f32 v1, v63;
	v2 =	vadd.f32 v3, v2;
	(pc) =	sbr.rel @p0 .LBB2_2-.Ltmp1, $3  }
0x4d: {  	_ = 	snop  }
0x4e: {  	v1 =	vadd.f32 v1, v2;
	_ =	sdelay $0x1  }
0x4f: {  	[tilespmem:s18+$0x10400] =	vst v1  }
0x50: {  	s16 =	sadd.s32 $0x1, s16  }
0x51: {  	p0 =	sne.s32 s16, s8  }
.Ltmp2:
0x52: {  	_ = 	snop;
	(pc) =	sbr.rel @p0 .LBB2_1-.Ltmp2, $4  }
0x53: {  	[hbm4b:s7+s2] =	stream.linear.scatter [tilespmem:s15], [sflag:$0x3], $0x200, $0x38;
	[tilespmem:$0x10600] =	vst v63  }
0x54: {  	_ =	swait.ge [sflag:s9], $0x200  }
0x55: {  	[sflag:s9] =	ssyncset.done $0x0  }
0x56: {  	[sflag:s9] =	ssyncadd.s32 $0xFFFFFE00  }
0x57: {  	_ =	sfence.sel $0x180000  }
0x58: {  	[bflag:$0x0] =	sbarrier.arrive $0xFFFF  }
0x59: {  	p0 =	sne.s32 s1, $0x0;
	_ =	strace $0x90000047  }
0x5a: {  	s0 =	sadd.s32 @!p0 $0x100000, s0;
	[bflag:$0x2] =	sbarrier.arrive $0xFFFF  }
0x5b: {  	[sflag:s0] =	ssyncadd.tile.s32 @!p0 $0x1;
	_ =	shalt  }
.Lfunc_end2:
_tile_overlayer_lowered:
.L_overlay_start_2:
0x5c: {  	(tag) =	ssettag $0x2  }
0x5d: {  	s0 =	rddreg [dreg:$0x0];
	s2 =	stileid.u32  }
0x5e: {  	s1 =	rddreg [dreg:$0x1];
	p0 =	sne.s32 s2, $0x0  }
0x5f: {  	s3 =	rddreg [dreg:$0x2];
	[bflag:$0x3] =	sbarrier.arrive $0xFFFF;
	s2 =	simm.s32 @!p0 $0x1C03  }
0x60: {  	[timem:s3], [sflag:s2] =	dma.local @!p0 [hbm:s0], s1  }
0x61: {  	s0 =	simm.s32 @!p0 $0x3  }
0x62: {  	_ =	swait.ge @!p0 [sflag:s0], s1  }
0x63: {  	s1 =	ssub.s32 @!p0 $0x0, s1;
	[sflag:s0] =	ssyncset.done @!p0 $0x0  }
0x64: {  	[sflag:s0] =	ssyncadd.s32 @!p0 s1  }
0x65: {  	[bflag:$0x3] =	sbarrier.arrive $0xFFFF  }
0x66: {  	_ =	shalt  }

</sc_bundles>
